<compile_context>
chip_gen: v7x
topology: tpu7x:2x2x1
jax: 0.10.2.dev20260603
libtpu: 0.0.44.dev20260713+nightly
codegen_flags: <defaults>
</compile_context>

<pallas_src>
import functools

import jax
import jax.numpy as jnp
from jax import lax
from jax.experimental import pallas as pl
from jax.experimental.pallas import tpu as pltpu
from jax.experimental.pallas import tpu_sc as plsc

EMB = 128
R0 = 119
RC = 288
MAX_NORM = 10.0

NC = 2
NS = 16
NW = NC * NS
GROUP = 128
GROUPS_PER_W = 25
PER_W = GROUP * GROUPS_PER_W
N_PAD = NW * PER_W

DEPTH = 2


def _renorm(w):
    norm = jnp.sqrt(jnp.sum(w * w, axis=-1, keepdims=True))
    scale = jnp.where(norm > MAX_NORM, MAX_NORM / (norm + 1e-7), 1.0)
    return w * scale


def _build_body(w0_ref, w1_ref, w2_ref, w3_ref, w4_ref, t0_ref, t1_ref):
    t0_ref[...] = _renorm(w0_ref[...])
    r1 = _renorm(w1_ref[...])
    r2 = _renorm(w2_ref[...])
    r3 = _renorm(w3_ref[...])
    r4 = _renorm(w4_ref[...])
    r34 = jnp.concatenate([r3[0:1] + r4, r3[1:2] + r4], axis=0)
    r234 = jnp.concatenate([r2[k:k + 1] + r34 for k in range(6)], axis=0)
    t1_ref[...] = jnp.concatenate(
        [r1[a:a + 1] + r234 for a in range(12)], axis=0)


def _build_tables(W0, W1, W2, W3, W4):
    return pl.pallas_call(
        _build_body,
        out_shape=[
            jax.ShapeDtypeStruct((R0, EMB), jnp.float32),
            jax.ShapeDtypeStruct((RC, EMB), jnp.float32),
        ],
    )(W0, W1, W2, W3, W4)


def _sc_lookup_body(n, x0h, x1h, x2h, x3h, x4h, t0h, t1h, outh,
                    xb0, xb1, xb2, xb3, xb4, t0b, t1b, rows3, osem):
    wid = lax.axis_index("s") * NC + lax.axis_index("c")
    last_base = n - PER_W
    step = last_base // (NW - 1)
    base = pl.multiple_of(
        jnp.where(wid == NW - 1, last_base, (wid * step) & ~7), 8)
    cps = [pltpu.async_copy(xh.at[pl.ds(base, PER_W)], xb, osem)
           for xh, xb in ((x0h, xb0), (x1h, xb1), (x2h, xb2),
                          (x3h, xb3), (x4h, xb4))]
    cps.append(pltpu.async_copy(t0h, t0b, osem))
    cps.append(pltpu.async_copy(t1h, t1b, osem))
    for cp in cps:
        cp.wait()

    iota16 = lax.iota(jnp.int32, 16)
    ones = jnp.full((16,), 1, jnp.int32)
    mask127 = jnp.full((16,), EMB - 1, jnp.int32)

    def wait_one_out():
        pltpu.make_async_copy(
            rows3.at[0], outh.at[pl.ds(base, GROUP)], osem).wait()

    def j_body(j, carry):
        p = lax.rem(j, DEPTH)

        @pl.when(j >= DEPTH)
        def _():
            wait_one_out()

        pv = jnp.full((16,), p, jnp.int32)

        def g_body(g, carry2):
            q = j * GROUP + g * 16
            row_a = xb0[pl.ds(q, 16)]
            row_b = (xb1[pl.ds(q, 16)] * 24
                     + xb2[pl.ds(q, 16)] * 4
                     + xb3[pl.ds(q, 16)] * 2
                     + xb4[pl.ds(q, 16)])
            nodev = g * 16 + iota16

            @plsc.parallel_loop(0, EMB, 1, unroll=8)
            def _cols(c):
                cv = (iota16 + c) & mask127
                va = plsc.load_gather(t0b, [row_a, cv])
                vb = plsc.load_gather(t1b, [row_b, cv])
                plsc.store_scatter(rows3, [pv, nodev, cv], va + vb)

            return carry2

        lax.fori_loop(0, GROUP // 16, g_body, 0)
        pltpu.async_copy(
            rows3.at[p], outh.at[pl.ds(base + j * GROUP, GROUP)], osem)
        return carry

    lax.fori_loop(0, GROUPS_PER_W, j_body, 0)
    for _ in range(DEPTH):
        wait_one_out()


@functools.cache
def _make_sc_lookup(n):
    mesh = plsc.VectorSubcoreMesh(
        core_axis_name="c", subcore_axis_name="s",
        num_cores=NC, num_subcores=NS)
    return pl.kernel(
        functools.partial(_sc_lookup_body, n),
        out_type=jax.ShapeDtypeStruct((n, EMB), jnp.float32),
        mesh=mesh,
        compiler_params=pltpu.CompilerParams(needs_layout_passes=False),
        scratch_types=[
            pltpu.VMEM((PER_W,), jnp.int32),
            pltpu.VMEM((PER_W,), jnp.int32),
            pltpu.VMEM((PER_W,), jnp.int32),
            pltpu.VMEM((PER_W,), jnp.int32),
            pltpu.VMEM((PER_W,), jnp.int32),
            pltpu.VMEM((R0, EMB), jnp.float32),
            pltpu.VMEM((RC, EMB), jnp.float32),
            pltpu.VMEM((DEPTH, GROUP, EMB), jnp.float32),
            pltpu.SemaphoreType.DMA,
        ],
    )


def kernel(x, W0, W1, W2, W3, W4):
    n = x.shape[0]
    x = x.astype(jnp.int32)
    t0, t1 = _build_tables(W0, W1, W2, W3, W4)
    xt = x.T
    return _make_sc_lookup(n)(xt[0], xt[1], xt[2], xt[3], xt[4], t0, t1)

# --- scband reference (transcript-rebuilt; emitter-appended) ---
"""Pipeline reference for scband-atom-encoder-83700322665121 (READ-ONLY COPY).

The authoritative reference and input builder live on the scoring server;
editing this copy changes nothing except your own understanding.
"""

import jax, jax.numpy as jnp
import numpy as np

TABLE_SIZES = [119, 12, 6, 2, 2]
EMB_DIM = 128
MAX_NORM = 10.0
N_NODES = 100000


def setup_inputs(seed: int = 0) -> dict:
    key = jax.random.key(seed)
    ks = jax.random.split(key, len(TABLE_SIZES) + 1)
    # indices: int in [0, 2) so they are valid for every table (smallest table has 2 rows)
    x = jax.random.randint(ks[0], (N_NODES, len(TABLE_SIZES)), 0, 2)
    inp = {"x": x}
    # xavier_uniform init for each embedding table, matching nn.init.xavier_uniform_
    for i, n_rows in enumerate(TABLE_SIZES):
        a = float(np.sqrt(6.0 / (n_rows + EMB_DIM)))
        inp[f"W{i}"] = jax.random.uniform(ks[i + 1], (n_rows, EMB_DIM), minval=-a, maxval=a, dtype=jnp.float32)
    return inp


def _renorm_gather(W, idx):
    # nn.Embedding(max_norm=MAX_NORM): rows that are looked up are renormalized
    # so their L2 norm does not exceed MAX_NORM, then gathered.
    rows = jnp.take(W, idx, axis=0)
    norms = jnp.linalg.norm(rows, axis=-1, keepdims=True)
    scale = jnp.where(norms > MAX_NORM, MAX_NORM / (norms + 1e-7), 1.0)
    return rows * scale


def reference(x, W0, W1, W2, W3, W4):
    tables = [W0, W1, W2, W3, W4]
    x_embedding = jnp.zeros((x.shape[0], EMB_DIM), dtype=jnp.float32)
    for i, W in enumerate(tables):
        x_embedding = x_embedding + _renorm_gather(W, x[:, i])
    return x_embedding

if __name__ == "__main__":
    import jax
    _d = setup_inputs()
    print(jax.jit(kernel)(*tuple(_d.values())))

</pallas_src>

<mosaic_0001>
#map = affine_map<(d0, d1) -> (0)>
#map1 = affine_map<(d0, d1) -> (0, 0)>
module attributes {stable_mosaic.version = 14 : i64} {
  func.func @_sc_lookup_body(%arg0: i32, %arg1: i32, %arg2: memref<100000xi32, #tpu.memory_space<hbm>>, %arg3: memref<100000xi32, #tpu.memory_space<hbm>>, %arg4: memref<100000xi32, #tpu.memory_space<hbm>>, %arg5: memref<100000xi32, #tpu.memory_space<hbm>>, %arg6: memref<100000xi32, #tpu.memory_space<hbm>>, %arg7: memref<119x128xf32, #tpu.memory_space<hbm>>, %arg8: memref<288x128xf32, #tpu.memory_space<hbm>>, %arg9: memref<100000x128xf32, #tpu.memory_space<hbm>>, %arg10: memref<3200xi32, #tpu.memory_space<vmem>>, %arg11: memref<3200xi32, #tpu.memory_space<vmem>>, %arg12: memref<3200xi32, #tpu.memory_space<vmem>>, %arg13: memref<3200xi32, #tpu.memory_space<vmem>>, %arg14: memref<3200xi32, #tpu.memory_space<vmem>>, %arg15: memref<119x128xf32, #tpu.memory_space<vmem>>, %arg16: memref<288x128xf32, #tpu.memory_space<vmem>>, %arg17: memref<2x128x128xf32, #tpu.memory_space<vmem>>, %arg18: memref<!tpu.dma_semaphore, #tpu.memory_space<semaphore_mem>>) attributes {dimension_semantics = [#tpu.dimension_semantics<core_parallel>, #tpu.dimension_semantics<subcore_parallel>], iteration_bounds = array<i64: 2, 16>, scalar_prefetch = 0 : i64, scratch_operands = 9 : i64, tpu.core_type = #tpu.core_type<sc_vector_subcore>, window_params = [{transform_indices = #map}, {transform_indices = #map}, {transform_indices = #map}, {transform_indices = #map}, {transform_indices = #map}, {transform_indices = #map1}, {transform_indices = #map1}, {transform_indices = #map1}]} {
    %mul3A = arith.constant 2 : i32
    %mul3A_0 = arith.muli %arg1, %mul3A : i32
    %add3A = arith.addi %mul3A_0, %arg0 : i32
    %eq3A = arith.constant 31 : i32
    %eq3A_1 = arith.cmpi eq, %add3A, %eq3A : i32
    %mul3A_2 = arith.constant 3122 : i32
    %mul3A_3 = arith.muli %add3A, %mul3A_2 : i32
    %and3A = arith.constant -8 : i32
    %and3A_4 = arith.andi %mul3A_3, %and3A : i32
    %jit3A = arith.constant 96800 : i32
    %select_n3A = arith.select %eq3A_1, %jit3A, %and3A_4 : i32
    %multiple_of3A = tpu.assume_multiple %select_n3A, 8 : i32
    %dma_start3A = tpu.memref_slice %arg2[%multiple_of3A] : memref<100000xi32, #tpu.memory_space<hbm>> -> memref<3200xi32, #tpu.memory_space<hbm>>
    %dma_start3A_5 = tpu.memref_slice %arg2[%multiple_of3A] : memref<100000xi32, #tpu.memory_space<hbm>> -> memref<3200xi32, #tpu.memory_space<hbm>>
    tpu.enqueue_dma source(%dma_start3A_5 : memref<3200xi32, #tpu.memory_space<hbm>>) target(%arg10 : memref<3200xi32, #tpu.memory_space<vmem>>) target_semaphore(%arg18 : memref<!tpu.dma_semaphore, #tpu.memory_space<semaphore_mem>>)
    %dma_start3A_6 = tpu.memref_slice %arg3[%multiple_of3A] : memref<100000xi32, #tpu.memory_space<hbm>> -> memref<3200xi32, #tpu.memory_space<hbm>>
    %dma_start3A_7 = tpu.memref_slice %arg3[%multiple_of3A] : memref<100000xi32, #tpu.memory_space<hbm>> -> memref<3200xi32, #tpu.memory_space<hbm>>
    tpu.enqueue_dma source(%dma_start3A_7 : memref<3200xi32, #tpu.memory_space<hbm>>) target(%arg11 : memref<3200xi32, #tpu.memory_space<vmem>>) target_semaphore(%arg18 : memref<!tpu.dma_semaphore, #tpu.memory_space<semaphore_mem>>)
    %dma_start3A_8 = tpu.memref_slice %arg4[%multiple_of3A] : memref<100000xi32, #tpu.memory_space<hbm>> -> memref<3200xi32, #tpu.memory_space<hbm>>
    %dma_start3A_9 = tpu.memref_slice %arg4[%multiple_of3A] : memref<100000xi32, #tpu.memory_space<hbm>> -> memref<3200xi32, #tpu.memory_space<hbm>>
    tpu.enqueue_dma source(%dma_start3A_9 : memref<3200xi32, #tpu.memory_space<hbm>>) target(%arg12 : memref<3200xi32, #tpu.memory_space<vmem>>) target_semaphore(%arg18 : memref<!tpu.dma_semaphore, #tpu.memory_space<semaphore_mem>>)
    %dma_start3A_10 = tpu.memref_slice %arg5[%multiple_of3A] : memref<100000xi32, #tpu.memory_space<hbm>> -> memref<3200xi32, #tpu.memory_space<hbm>>
    %dma_start3A_11 = tpu.memref_slice %arg5[%multiple_of3A] : memref<100000xi32, #tpu.memory_space<hbm>> -> memref<3200xi32, #tpu.memory_space<hbm>>
    tpu.enqueue_dma source(%dma_start3A_11 : memref<3200xi32, #tpu.memory_space<hbm>>) target(%arg13 : memref<3200xi32, #tpu.memory_space<vmem>>) target_semaphore(%arg18 : memref<!tpu.dma_semaphore, #tpu.memory_space<semaphore_mem>>)
    %dma_start3A_12 = tpu.memref_slice %arg6[%multiple_of3A] : memref<100000xi32, #tpu.memory_space<hbm>> -> memref<3200xi32, #tpu.memory_space<hbm>>
    %dma_start3A_13 = tpu.memref_slice %arg6[%multiple_of3A] : memref<100000xi32, #tpu.memory_space<hbm>> -> memref<3200xi32, #tpu.memory_space<hbm>>
    tpu.enqueue_dma source(%dma_start3A_13 : memref<3200xi32, #tpu.memory_space<hbm>>) target(%arg14 : memref<3200xi32, #tpu.memory_space<vmem>>) target_semaphore(%arg18 : memref<!tpu.dma_semaphore, #tpu.memory_space<semaphore_mem>>)
    tpu.enqueue_dma source(%arg7 : memref<119x128xf32, #tpu.memory_space<hbm>>) target(%arg15 : memref<119x128xf32, #tpu.memory_space<vmem>>) target_semaphore(%arg18 : memref<!tpu.dma_semaphore, #tpu.memory_space<semaphore_mem>>)
    tpu.enqueue_dma source(%arg8 : memref<288x128xf32, #tpu.memory_space<hbm>>) target(%arg16 : memref<288x128xf32, #tpu.memory_space<vmem>>) target_semaphore(%arg18 : memref<!tpu.dma_semaphore, #tpu.memory_space<semaphore_mem>>)
    %dma_wait3A = tpu.memref_slice %arg2[%multiple_of3A] : memref<100000xi32, #tpu.memory_space<hbm>> -> memref<3200xi32, #tpu.memory_space<hbm>>
    %dma_wait3A_14 = tpu.memref_slice %arg2[%multiple_of3A] : memref<100000xi32, #tpu.memory_space<hbm>> -> memref<3200xi32, #tpu.memory_space<hbm>>
    tpu.wait_dma2 semaphore(%arg18 : memref<!tpu.dma_semaphore, #tpu.memory_space<semaphore_mem>>) src(%dma_wait3A_14 : memref<3200xi32, #tpu.memory_space<hbm>>) dst(%arg10 : memref<3200xi32, #tpu.memory_space<vmem>>)
    %dma_wait3A_15 = tpu.memref_slice %arg3[%multiple_of3A] : memref<100000xi32, #tpu.memory_space<hbm>> -> memref<3200xi32, #tpu.memory_space<hbm>>
    %dma_wait3A_16 = tpu.memref_slice %arg3[%multiple_of3A] : memref<100000xi32, #tpu.memory_space<hbm>> -> memref<3200xi32, #tpu.memory_space<hbm>>
    tpu.wait_dma2 semaphore(%arg18 : memref<!tpu.dma_semaphore, #tpu.memory_space<semaphore_mem>>) src(%dma_wait3A_16 : memref<3200xi32, #tpu.memory_space<hbm>>) dst(%arg11 : memref<3200xi32, #tpu.memory_space<vmem>>)
    %dma_wait3A_17 = tpu.memref_slice %arg4[%multiple_of3A] : memref<100000xi32, #tpu.memory_space<hbm>> -> memref<3200xi32, #tpu.memory_space<hbm>>
    %dma_wait3A_18 = tpu.memref_slice %arg4[%multiple_of3A] : memref<100000xi32, #tpu.memory_space<hbm>> -> memref<3200xi32, #tpu.memory_space<hbm>>
    tpu.wait_dma2 semaphore(%arg18 : memref<!tpu.dma_semaphore, #tpu.memory_space<semaphore_mem>>) src(%dma_wait3A_18 : memref<3200xi32, #tpu.memory_space<hbm>>) dst(%arg12 : memref<3200xi32, #tpu.memory_space<vmem>>)
    %dma_wait3A_19 = tpu.memref_slice %arg5[%multiple_of3A] : memref<100000xi32, #tpu.memory_space<hbm>> -> memref<3200xi32, #tpu.memory_space<hbm>>
    %dma_wait3A_20 = tpu.memref_slice %arg5[%multiple_of3A] : memref<100000xi32, #tpu.memory_space<hbm>> -> memref<3200xi32, #tpu.memory_space<hbm>>
    tpu.wait_dma2 semaphore(%arg18 : memref<!tpu.dma_semaphore, #tpu.memory_space<semaphore_mem>>) src(%dma_wait3A_20 : memref<3200xi32, #tpu.memory_space<hbm>>) dst(%arg13 : memref<3200xi32, #tpu.memory_space<vmem>>)
    %dma_wait3A_21 = tpu.memref_slice %arg6[%multiple_of3A] : memref<100000xi32, #tpu.memory_space<hbm>> -> memref<3200xi32, #tpu.memory_space<hbm>>
    %dma_wait3A_22 = tpu.memref_slice %arg6[%multiple_of3A] : memref<100000xi32, #tpu.memory_space<hbm>> -> memref<3200xi32, #tpu.memory_space<hbm>>
    tpu.wait_dma2 semaphore(%arg18 : memref<!tpu.dma_semaphore, #tpu.memory_space<semaphore_mem>>) src(%dma_wait3A_22 : memref<3200xi32, #tpu.memory_space<hbm>>) dst(%arg14 : memref<3200xi32, #tpu.memory_space<vmem>>)
    tpu.wait_dma2 semaphore(%arg18 : memref<!tpu.dma_semaphore, #tpu.memory_space<semaphore_mem>>) src(%arg7 : memref<119x128xf32, #tpu.memory_space<hbm>>) dst(%arg15 : memref<119x128xf32, #tpu.memory_space<vmem>>)
    tpu.wait_dma2 semaphore(%arg18 : memref<!tpu.dma_semaphore, #tpu.memory_space<semaphore_mem>>) src(%arg8 : memref<288x128xf32, #tpu.memory_space<hbm>>) dst(%arg16 : memref<288x128xf32, #tpu.memory_space<vmem>>)
    %iota3A = tpu.iota {dimensions = array<i32: 0>} : vector<16xi32>
    %broadcast_in_dim3A = arith.constant 1 : i32
    %broadcast_in_dim3A_23 = vector.broadcast %broadcast_in_dim3A : i32 to vector<16xi32>
    %broadcast_in_dim3A_24 = arith.constant 127 : i32
    %broadcast_in_dim3A_25 = vector.broadcast %broadcast_in_dim3A_24 : i32 to vector<16xi32>
    %scan3A = arith.constant 0 : i32
    %scan3A_26 = arith.constant 0 : i32
    %scan3A_27 = arith.constant 25 : i32
    %scan3A_28 = arith.addi %scan3A_26, %scan3A_27 : i32
    %scan3A_29 = arith.constant 1 : i32
    scf.for %scan3A_57 = %scan3A_26 to %scan3A_28 step %scan3A_29  : i32 {
      %rem3A = arith.constant 2 : i32
      %rem3A_58 = arith.remsi %scan3A_57, %rem3A : i32
      %ge3A = arith.constant 2 : i32
      %ge3A_59 = arith.cmpi sge, %scan3A_57, %ge3A : i32
      %convert_element_type3A = arith.extui %ge3A_59 : i1 to i32
      %cond3A = arith.constant 0 : i32
      %cond3A_60 = arith.cmpi ne, %convert_element_type3A, %cond3A : i32
      scf.if %cond3A_60 {
        %dma_wait3A_83 = arith.constant 0 : i32
        %dma_wait3A_84 = arith.constant 0 : i32
        %dma_wait3A_85 = arith.constant 0 : i32
        %dma_wait3A_86 = tpu.memref_slice %arg17[%dma_wait3A_83, %dma_wait3A_84, %dma_wait3A_85] : memref<2x128x128xf32, #tpu.memory_space<vmem>> -> memref<1x128x128xf32, #tpu.memory_space<vmem>>
        %dma_wait3A_87 = tpu.memref_squeeze %dma_wait3A_86 : memref<1x128x128xf32, #tpu.memory_space<vmem>> -> memref<128x128xf32, #tpu.memory_space<vmem>>
        %dma_wait3A_88 = arith.constant 0 : i32
        %dma_wait3A_89 = tpu.memref_slice %arg9[%multiple_of3A, %dma_wait3A_88] : memref<100000x128xf32, #tpu.memory_space<hbm>> -> memref<128x128xf32, #tpu.memory_space<hbm>>
        %dma_wait3A_90 = arith.constant 0 : i32
        %dma_wait3A_91 = tpu.memref_slice %arg9[%multiple_of3A, %dma_wait3A_90] : memref<100000x128xf32, #tpu.memory_space<hbm>> -> memref<128x128xf32, #tpu.memory_space<hbm>>
        %dma_wait3A_92 = arith.constant 0 : i32
        %dma_wait3A_93 = arith.constant 0 : i32
        %dma_wait3A_94 = tpu.memref_slice %arg17[%dma_wait3A_83, %dma_wait3A_92, %dma_wait3A_93] : memref<2x128x128xf32, #tpu.memory_space<vmem>> -> memref<1x128x128xf32, #tpu.memory_space<vmem>>
        %dma_wait3A_95 = tpu.memref_squeeze %dma_wait3A_94 : memref<1x128x128xf32, #tpu.memory_space<vmem>> -> memref<128x128xf32, #tpu.memory_space<vmem>>
        tpu.wait_dma2 semaphore(%arg18 : memref<!tpu.dma_semaphore, #tpu.memory_space<semaphore_mem>>) src(%dma_wait3A_95 : memref<128x128xf32, #tpu.memory_space<vmem>>) dst(%dma_wait3A_91 : memref<128x128xf32, #tpu.memory_space<hbm>>)
      } else {
      }
      %broadcast_in_dim3A_61 = vector.broadcast %rem3A_58 : i32 to vector<16xi32>
      %scan3A_62 = arith.constant 0 : i32
      %scan3A_63 = arith.constant 0 : i32
      %scan3A_64 = arith.constant 8 : i32
      %scan3A_65 = arith.addi %scan3A_63, %scan3A_64 : i32
      %scan3A_66 = arith.constant 1 : i32
      scf.for %scan3A_83 = %scan3A_63 to %scan3A_65 step %scan3A_66  : i32 {
        %mul3A_84 = arith.constant 128 : i32
        %mul3A_85 = arith.muli %scan3A_57, %mul3A_84 : i32
        %mul3A_86 = arith.constant 16 : i32
        %mul3A_87 = arith.muli %scan3A_83, %mul3A_86 : i32
        %add3A_88 = arith.addi %mul3A_85, %mul3A_87 : i32
        %get3A = arith.index_cast %add3A_88 : i32 to index
        %get3A_89 = tpu.vector_load %arg10[%get3A] {strides = array<i32>} : memref<3200xi32, #tpu.memory_space<vmem>>, vector<16xi32>,
        %get3A_90 = arith.index_cast %add3A_88 : i32 to index
        %get3A_91 = tpu.vector_load %arg11[%get3A_90] {strides = array<i32>} : memref<3200xi32, #tpu.memory_space<vmem>>, vector<16xi32>,
        %mul3A_92 = arith.constant 24 : i32
        %mul3A_93 = vector.broadcast %mul3A_92 : i32 to vector<16xi32>
        %mul3A_94 = arith.muli %get3A_91, %mul3A_93 : vector<16xi32>
        %get3A_95 = arith.index_cast %add3A_88 : i32 to index
        %get3A_96 = tpu.vector_load %arg12[%get3A_95] {strides = array<i32>} : memref<3200xi32, #tpu.memory_space<vmem>>, vector<16xi32>,
        %mul3A_97 = arith.constant 4 : i32
        %mul3A_98 = vector.broadcast %mul3A_97 : i32 to vector<16xi32>
        %mul3A_99 = arith.muli %get3A_96, %mul3A_98 : vector<16xi32>
        %add3A_100 = arith.addi %mul3A_94, %mul3A_99 : vector<16xi32>
        %get3A_101 = arith.index_cast %add3A_88 : i32 to index
        %get3A_102 = tpu.vector_load %arg13[%get3A_101] {strides = array<i32>} : memref<3200xi32, #tpu.memory_space<vmem>>, vector<16xi32>,
        %mul3A_103 = arith.constant 2 : i32
        %mul3A_104 = vector.broadcast %mul3A_103 : i32 to vector<16xi32>
        %mul3A_105 = arith.muli %get3A_102, %mul3A_104 : vector<16xi32>
        %add3A_106 = arith.addi %add3A_100, %mul3A_105 : vector<16xi32>
        %get3A_107 = arith.index_cast %add3A_88 : i32 to index
        %get3A_108 = tpu.vector_load %arg14[%get3A_107] {strides = array<i32>} : memref<3200xi32, #tpu.memory_space<vmem>>, vector<16xi32>,
        %add3A_109 = arith.addi %add3A_106, %get3A_108 : vector<16xi32>
        %mul3A_110 = arith.constant 16 : i32
        %mul3A_111 = arith.muli %scan3A_83, %mul3A_110 : i32
        %add3A_112 = vector.broadcast %mul3A_111 : i32 to vector<16xi32>
        %add3A_113 = arith.addi %add3A_112, %iota3A : vector<16xi32>
        %parallel_loop3A = arith.constant 0 : i32
        %parallel_loop3A_114 = arith.constant 128 : i32
        %parallel_loop3A_115 = arith.constant 1 : i32
        scf.for %parallel_loop3A_116 = %parallel_loop3A to %parallel_loop3A_114 step %parallel_loop3A_115  : i32 {
          %parallel_loop3A_117 = vector.broadcast %parallel_loop3A_116 : i32 to vector<16xi32>
          %parallel_loop3A_118 = arith.addi %iota3A, %parallel_loop3A_117 : vector<16xi32>
          %parallel_loop3A_119 = arith.andi %parallel_loop3A_118, %broadcast_in_dim3A_25 : vector<16xi32>
          %parallel_loop3A_120 = tpu.vector_load_idx %arg15[%get3A_89, %parallel_loop3A_119] : memref<119x128xf32, #tpu.memory_space<vmem>>[vector<16xi32>, vector<16xi32>], vector<16xf32>,
          %parallel_loop3A_121 = tpu.vector_load_idx %arg16[%add3A_109, %parallel_loop3A_119] : memref<288x128xf32, #tpu.memory_space<vmem>>[vector<16xi32>, vector<16xi32>], vector<16xf32>,
          %parallel_loop3A_122 = arith.addf %parallel_loop3A_120, %parallel_loop3A_121 : vector<16xf32>
          tpu.vector_store_idx %arg17[%broadcast_in_dim3A_61, %add3A_113, %parallel_loop3A_119], %parallel_loop3A_122 : memref<2x128x128xf32, #tpu.memory_space<vmem>>[vector<16xi32>, vector<16xi32>, vector<16xi32>], vector<16xf32>,
        } {sc.loop_unroll_factor = 8 : i64, sc.parallel_access}
      }
      %scan3A_67 = arith.constant 8 : i32
      %mul3A_68 = arith.constant 128 : i32
      %mul3A_69 = arith.muli %scan3A_57, %mul3A_68 : i32
      %add3A_70 = arith.addi %multiple_of3A, %mul3A_69 : i32
      %dma_start3A_71 = arith.constant 0 : i32
      %dma_start3A_72 = arith.constant 0 : i32
      %dma_start3A_73 = tpu.memref_slice %arg17[%rem3A_58, %dma_start3A_71, %dma_start3A_72] : memref<2x128x128xf32, #tpu.memory_space<vmem>> -> memref<1x128x128xf32, #tpu.memory_space<vmem>>
      %dma_start3A_74 = tpu.memref_squeeze %dma_start3A_73 : memref<1x128x128xf32, #tpu.memory_space<vmem>> -> memref<128x128xf32, #tpu.memory_space<vmem>>
      %dma_start3A_75 = arith.constant 0 : i32
      %dma_start3A_76 = tpu.memref_slice %arg9[%add3A_70, %dma_start3A_75] : memref<100000x128xf32, #tpu.memory_space<hbm>> -> memref<128x128xf32, #tpu.memory_space<hbm>>
      %dma_start3A_77 = arith.constant 0 : i32
      %dma_start3A_78 = tpu.memref_slice %arg9[%add3A_70, %dma_start3A_77] : memref<100000x128xf32, #tpu.memory_space<hbm>> -> memref<128x128xf32, #tpu.memory_space<hbm>>
      %dma_start3A_79 = arith.constant 0 : i32
      %dma_start3A_80 = arith.constant 0 : i32
      %dma_start3A_81 = tpu.memref_slice %arg17[%rem3A_58, %dma_start3A_79, %dma_start3A_80] : memref<2x128x128xf32, #tpu.memory_space<vmem>> -> memref<1x128x128xf32, #tpu.memory_space<vmem>>
      %dma_start3A_82 = tpu.memref_squeeze %dma_start3A_81 : memref<1x128x128xf32, #tpu.memory_space<vmem>> -> memref<128x128xf32, #tpu.memory_space<vmem>>
      tpu.enqueue_dma source(%dma_start3A_82 : memref<128x128xf32, #tpu.memory_space<vmem>>) target(%dma_start3A_78 : memref<128x128xf32, #tpu.memory_space<hbm>>) target_semaphore(%arg18 : memref<!tpu.dma_semaphore, #tpu.memory_space<semaphore_mem>>)
    }
    %scan3A_30 = arith.constant 25 : i32
    %dma_wait3A_31 = arith.constant 0 : i32
    %dma_wait3A_32 = arith.constant 0 : i32
    %dma_wait3A_33 = arith.constant 0 : i32
    %dma_wait3A_34 = tpu.memref_slice %arg17[%dma_wait3A_31, %dma_wait3A_32, %dma_wait3A_33] : memref<2x128x128xf32, #tpu.memory_space<vmem>> -> memref<1x128x128xf32, #tpu.memory_space<vmem>>
    %dma_wait3A_35 = tpu.memref_squeeze %dma_wait3A_34 : memref<1x128x128xf32, #tpu.memory_space<vmem>> -> memref<128x128xf32, #tpu.memory_space<vmem>>
    %dma_wait3A_36 = arith.constant 0 : i32
    %dma_wait3A_37 = tpu.memref_slice %arg9[%multiple_of3A, %dma_wait3A_36] : memref<100000x128xf32, #tpu.memory_space<hbm>> -> memref<128x128xf32, #tpu.memory_space<hbm>>
    %dma_wait3A_38 = arith.constant 0 : i32
    %dma_wait3A_39 = tpu.memref_slice %arg9[%multiple_of3A, %dma_wait3A_38] : memref<100000x128xf32, #tpu.memory_space<hbm>> -> memref<128x128xf32, #tpu.memory_space<hbm>>
    %dma_wait3A_40 = arith.constant 0 : i32
    %dma_wait3A_41 = arith.constant 0 : i32
    %dma_wait3A_42 = tpu.memref_slice %arg17[%dma_wait3A_31, %dma_wait3A_40, %dma_wait3A_41] : memref<2x128x128xf32, #tpu.memory_space<vmem>> -> memref<1x128x128xf32, #tpu.memory_space<vmem>>
    %dma_wait3A_43 = tpu.memref_squeeze %dma_wait3A_42 : memref<1x128x128xf32, #tpu.memory_space<vmem>> -> memref<128x128xf32, #tpu.memory_space<vmem>>
    tpu.wait_dma2 semaphore(%arg18 : memref<!tpu.dma_semaphore, #tpu.memory_space<semaphore_mem>>) src(%dma_wait3A_43 : memref<128x128xf32, #tpu.memory_space<vmem>>) dst(%dma_wait3A_39 : memref<128x128xf32, #tpu.memory_space<hbm>>)
    %dma_wait3A_44 = arith.constant 0 : i32
    %dma_wait3A_45 = arith.constant 0 : i32
    %dma_wait3A_46 = arith.constant 0 : i32
    %dma_wait3A_47 = tpu.memref_slice %arg17[%dma_wait3A_44, %dma_wait3A_45, %dma_wait3A_46] : memref<2x128x128xf32, #tpu.memory_space<vmem>> -> memref<1x128x128xf32, #tpu.memory_space<vmem>>
    %dma_wait3A_48 = tpu.memref_squeeze %dma_wait3A_47 : memref<1x128x128xf32, #tpu.memory_space<vmem>> -> memref<128x128xf32, #tpu.memory_space<vmem>>
    %dma_wait3A_49 = arith.constant 0 : i32
    %dma_wait3A_50 = tpu.memref_slice %arg9[%multiple_of3A, %dma_wait3A_49] : memref<100000x128xf32, #tpu.memory_space<hbm>> -> memref<128x128xf32, #tpu.memory_space<hbm>>
    %dma_wait3A_51 = arith.constant 0 : i32
    %dma_wait3A_52 = tpu.memref_slice %arg9[%multiple_of3A, %dma_wait3A_51] : memref<100000x128xf32, #tpu.memory_space<hbm>> -> memref<128x128xf32, #tpu.memory_space<hbm>>
    %dma_wait3A_53 = arith.constant 0 : i32
    %dma_wait3A_54 = arith.constant 0 : i32
    %dma_wait3A_55 = tpu.memref_slice %arg17[%dma_wait3A_44, %dma_wait3A_53, %dma_wait3A_54] : memref<2x128x128xf32, #tpu.memory_space<vmem>> -> memref<1x128x128xf32, #tpu.memory_space<vmem>>
    %dma_wait3A_56 = tpu.memref_squeeze %dma_wait3A_55 : memref<1x128x128xf32, #tpu.memory_space<vmem>> -> memref<128x128xf32, #tpu.memory_space<vmem>>
    tpu.wait_dma2 semaphore(%arg18 : memref<!tpu.dma_semaphore, #tpu.memory_space<semaphore_mem>>) src(%dma_wait3A_56 : memref<128x128xf32, #tpu.memory_space<vmem>>) dst(%dma_wait3A_52 : memref<128x128xf32, #tpu.memory_space<hbm>>)
    return
  }
}

module attributes {stable_mosaic.version = 14 : i64} {
  func.func @_build_body(%arg0: memref<119x128xf32, #tpu.memory_space<vmem>>, %arg1: memref<12x128xf32, #tpu.memory_space<vmem>>, %arg2: memref<6x128xf32, #tpu.memory_space<vmem>>, %arg3: memref<2x128xf32, #tpu.memory_space<vmem>>, %arg4: memref<2x128xf32, #tpu.memory_space<vmem>>, %arg5: memref<119x128xf32, #tpu.memory_space<vmem>>, %arg6: memref<288x128xf32, #tpu.memory_space<vmem>>) attributes {dimension_semantics = [], scalar_prefetch = 0 : i64, scratch_operands = 0 : i64, tpu.core_type = #tpu.core_type<tc>} {
    %get3A = arith.constant 0 : index
    %get3A_0 = arith.constant 0 : index
    %get3A_1 = vector.load %arg0[%get3A, %get3A_0] : memref<119x128xf32, #tpu.memory_space<vmem>>, vector<119x128xf32>
    %mul3A = arith.mulf %get3A_1, %get3A_1 : vector<119x128xf32>
    %reduce_sum3A = arith.constant dense<0.000000e+00> : vector<119xf32>
    %reduce_sum3A_2 = vector.multi_reduction <add>, %mul3A, %reduce_sum3A [1] : vector<119x128xf32> to vector<119xf32>
    %broadcast_in_dim3A = vector.shape_cast %reduce_sum3A_2 : vector<119xf32> to vector<119x1xf32>
    %sqrt3A = math.sqrt %broadcast_in_dim3A : vector<119x1xf32>
    %gt3A = arith.constant 1.000000e+01 : f32
    %gt3A_3 = vector.broadcast %gt3A : f32 to vector<119x1xf32>
    %gt3A_4 = arith.cmpf ogt, %sqrt3A, %gt3A_3 : vector<119x1xf32>
    %add3A = arith.constant 1.000000e-07 : f32
    %add3A_5 = vector.broadcast %add3A : f32 to vector<119x1xf32>
    %add3A_6 = arith.addf %sqrt3A, %add3A_5 : vector<119x1xf32>
    %div3A = arith.constant 1.000000e+01 : f32
    %div3A_7 = vector.broadcast %div3A : f32 to vector<119x1xf32>
    %div3A_8 = arith.divf %div3A_7, %add3A_6 : vector<119x1xf32>
    %jit3A = arith.constant 1.000000e+00 : f32
    %broadcast_in_dim3A_9 = vector.broadcast %jit3A : f32 to vector<119x1xf32>
    %select_n3A = arith.select %gt3A_4, %div3A_8, %broadcast_in_dim3A_9 : vector<119x1xi1>, vector<119x1xf32>
    %mul3A_10 = vector.broadcast %select_n3A : vector<119x1xf32> to vector<119x128xf32>
    %mul3A_11 = arith.mulf %get3A_1, %mul3A_10 : vector<119x128xf32>
    %swap3A = arith.constant 0 : index
    %swap3A_12 = arith.constant 0 : index
    %swap3A_13 = vector.load %arg5[%swap3A, %swap3A_12] : memref<119x128xf32, #tpu.memory_space<vmem>>, vector<119x128xf32>
    tpu.vector_store %arg5[%swap3A, %swap3A_12], %mul3A_11 {strides = array<i32>} : memref<119x128xf32, #tpu.memory_space<vmem>>, vector<119x128xf32>,
    %get3A_14 = arith.constant 0 : index
    %get3A_15 = arith.constant 0 : index
    %get3A_16 = vector.load %arg1[%get3A_14, %get3A_15] : memref<12x128xf32, #tpu.memory_space<vmem>>, vector<12x128xf32>
    %mul3A_17 = arith.mulf %get3A_16, %get3A_16 : vector<12x128xf32>
    %reduce_sum3A_18 = arith.constant dense<0.000000e+00> : vector<12xf32>
    %reduce_sum3A_19 = vector.multi_reduction <add>, %mul3A_17, %reduce_sum3A_18 [1] : vector<12x128xf32> to vector<12xf32>
    %broadcast_in_dim3A_20 = vector.shape_cast %reduce_sum3A_19 : vector<12xf32> to vector<12x1xf32>
    %sqrt3A_21 = math.sqrt %broadcast_in_dim3A_20 : vector<12x1xf32>
    %gt3A_22 = arith.constant 1.000000e+01 : f32
    %gt3A_23 = vector.broadcast %gt3A_22 : f32 to vector<12x1xf32>
    %gt3A_24 = arith.cmpf ogt, %sqrt3A_21, %gt3A_23 : vector<12x1xf32>
    %add3A_25 = arith.constant 1.000000e-07 : f32
    %add3A_26 = vector.broadcast %add3A_25 : f32 to vector<12x1xf32>
    %add3A_27 = arith.addf %sqrt3A_21, %add3A_26 : vector<12x1xf32>
    %div3A_28 = arith.constant 1.000000e+01 : f32
    %div3A_29 = vector.broadcast %div3A_28 : f32 to vector<12x1xf32>
    %div3A_30 = arith.divf %div3A_29, %add3A_27 : vector<12x1xf32>
    %jit3A_31 = arith.constant 1.000000e+00 : f32
    %broadcast_in_dim3A_32 = vector.broadcast %jit3A_31 : f32 to vector<12x1xf32>
    %select_n3A_33 = arith.select %gt3A_24, %div3A_30, %broadcast_in_dim3A_32 : vector<12x1xi1>, vector<12x1xf32>
    %mul3A_34 = vector.broadcast %select_n3A_33 : vector<12x1xf32> to vector<12x128xf32>
    %mul3A_35 = arith.mulf %get3A_16, %mul3A_34 : vector<12x128xf32>
    %get3A_36 = arith.constant 0 : index
    %get3A_37 = arith.constant 0 : index
    %get3A_38 = vector.load %arg2[%get3A_36, %get3A_37] : memref<6x128xf32, #tpu.memory_space<vmem>>, vector<6x128xf32>
    %mul3A_39 = arith.mulf %get3A_38, %get3A_38 : vector<6x128xf32>
    %reduce_sum3A_40 = arith.constant dense<0.000000e+00> : vector<6xf32>
    %reduce_sum3A_41 = vector.multi_reduction <add>, %mul3A_39, %reduce_sum3A_40 [1] : vector<6x128xf32> to vector<6xf32>
    %broadcast_in_dim3A_42 = vector.shape_cast %reduce_sum3A_41 : vector<6xf32> to vector<6x1xf32>
    %sqrt3A_43 = math.sqrt %broadcast_in_dim3A_42 : vector<6x1xf32>
    %gt3A_44 = arith.constant 1.000000e+01 : f32
    %gt3A_45 = vector.broadcast %gt3A_44 : f32 to vector<6x1xf32>
    %gt3A_46 = arith.cmpf ogt, %sqrt3A_43, %gt3A_45 : vector<6x1xf32>
    %add3A_47 = arith.constant 1.000000e-07 : f32
    %add3A_48 = vector.broadcast %add3A_47 : f32 to vector<6x1xf32>
    %add3A_49 = arith.addf %sqrt3A_43, %add3A_48 : vector<6x1xf32>
    %div3A_50 = arith.constant 1.000000e+01 : f32
    %div3A_51 = vector.broadcast %div3A_50 : f32 to vector<6x1xf32>
    %div3A_52 = arith.divf %div3A_51, %add3A_49 : vector<6x1xf32>
    %jit3A_53 = arith.constant 1.000000e+00 : f32
    %broadcast_in_dim3A_54 = vector.broadcast %jit3A_53 : f32 to vector<6x1xf32>
    %select_n3A_55 = arith.select %gt3A_46, %div3A_52, %broadcast_in_dim3A_54 : vector<6x1xi1>, vector<6x1xf32>
    %mul3A_56 = vector.broadcast %select_n3A_55 : vector<6x1xf32> to vector<6x128xf32>
    %mul3A_57 = arith.mulf %get3A_38, %mul3A_56 : vector<6x128xf32>
    %get3A_58 = arith.constant 0 : index
    %get3A_59 = arith.constant 0 : index
    %get3A_60 = vector.load %arg3[%get3A_58, %get3A_59] : memref<2x128xf32, #tpu.memory_space<vmem>>, vector<2x128xf32>
    %mul3A_61 = arith.mulf %get3A_60, %get3A_60 : vector<2x128xf32>
    %reduce_sum3A_62 = arith.constant dense<0.000000e+00> : vector<2xf32>
    %reduce_sum3A_63 = vector.multi_reduction <add>, %mul3A_61, %reduce_sum3A_62 [1] : vector<2x128xf32> to vector<2xf32>
    %broadcast_in_dim3A_64 = vector.shape_cast %reduce_sum3A_63 : vector<2xf32> to vector<2x1xf32>
    %sqrt3A_65 = math.sqrt %broadcast_in_dim3A_64 : vector<2x1xf32>
    %gt3A_66 = arith.constant 1.000000e+01 : f32
    %gt3A_67 = vector.broadcast %gt3A_66 : f32 to vector<2x1xf32>
    %gt3A_68 = arith.cmpf ogt, %sqrt3A_65, %gt3A_67 : vector<2x1xf32>
    %add3A_69 = arith.constant 1.000000e-07 : f32
    %add3A_70 = vector.broadcast %add3A_69 : f32 to vector<2x1xf32>
    %add3A_71 = arith.addf %sqrt3A_65, %add3A_70 : vector<2x1xf32>
    %div3A_72 = arith.constant 1.000000e+01 : f32
    %div3A_73 = vector.broadcast %div3A_72 : f32 to vector<2x1xf32>
    %div3A_74 = arith.divf %div3A_73, %add3A_71 : vector<2x1xf32>
    %jit3A_75 = arith.constant 1.000000e+00 : f32
    %broadcast_in_dim3A_76 = vector.broadcast %jit3A_75 : f32 to vector<2x1xf32>
    %select_n3A_77 = arith.select %gt3A_68, %div3A_74, %broadcast_in_dim3A_76 : vector<2x1xi1>, vector<2x1xf32>
    %mul3A_78 = vector.broadcast %select_n3A_77 : vector<2x1xf32> to vector<2x128xf32>
    %mul3A_79 = arith.mulf %get3A_60, %mul3A_78 : vector<2x128xf32>
    %get3A_80 = arith.constant 0 : index
    %get3A_81 = arith.constant 0 : index
    %get3A_82 = vector.load %arg4[%get3A_80, %get3A_81] : memref<2x128xf32, #tpu.memory_space<vmem>>, vector<2x128xf32>
    %mul3A_83 = arith.mulf %get3A_82, %get3A_82 : vector<2x128xf32>
    %reduce_sum3A_84 = arith.constant dense<0.000000e+00> : vector<2xf32>
    %reduce_sum3A_85 = vector.multi_reduction <add>, %mul3A_83, %reduce_sum3A_84 [1] : vector<2x128xf32> to vector<2xf32>
    %broadcast_in_dim3A_86 = vector.shape_cast %reduce_sum3A_85 : vector<2xf32> to vector<2x1xf32>
    %sqrt3A_87 = math.sqrt %broadcast_in_dim3A_86 : vector<2x1xf32>
    %gt3A_88 = arith.constant 1.000000e+01 : f32
    %gt3A_89 = vector.broadcast %gt3A_88 : f32 to vector<2x1xf32>
    %gt3A_90 = arith.cmpf ogt, %sqrt3A_87, %gt3A_89 : vector<2x1xf32>
    %add3A_91 = arith.constant 1.000000e-07 : f32
    %add3A_92 = vector.broadcast %add3A_91 : f32 to vector<2x1xf32>
    %add3A_93 = arith.addf %sqrt3A_87, %add3A_92 : vector<2x1xf32>
    %div3A_94 = arith.constant 1.000000e+01 : f32
    %div3A_95 = vector.broadcast %div3A_94 : f32 to vector<2x1xf32>
    %div3A_96 = arith.divf %div3A_95, %add3A_93 : vector<2x1xf32>
    %jit3A_97 = arith.constant 1.000000e+00 : f32
    %broadcast_in_dim3A_98 = vector.broadcast %jit3A_97 : f32 to vector<2x1xf32>
    %select_n3A_99 = arith.select %gt3A_90, %div3A_96, %broadcast_in_dim3A_98 : vector<2x1xi1>, vector<2x1xf32>
    %mul3A_100 = vector.broadcast %select_n3A_99 : vector<2x1xf32> to vector<2x128xf32>
    %mul3A_101 = arith.mulf %get3A_82, %mul3A_100 : vector<2x128xf32>
    %slice3A = vector.extract_strided_slice %mul3A_79 {offsets = [0, 0], sizes = [1, 128], strides = [1, 1]} : vector<2x128xf32> to vector<1x128xf32>
    %add3A_102 = vector.broadcast %slice3A : vector<1x128xf32> to vector<2x128xf32>
    %add3A_103 = arith.addf %add3A_102, %mul3A_101 : vector<2x128xf32>
    %slice3A_104 = vector.extract_strided_slice %mul3A_79 {offsets = [1, 0], sizes = [1, 128], strides = [1, 1]} : vector<2x128xf32> to vector<1x128xf32>
    %add3A_105 = vector.broadcast %slice3A_104 : vector<1x128xf32> to vector<2x128xf32>
    %add3A_106 = arith.addf %add3A_105, %mul3A_101 : vector<2x128xf32>
    %concatenate3A = tpu.concatenate %add3A_103, %add3A_106 in 0 : vector<2x128xf32>, vector<2x128xf32> -> vector<4x128xf32>
    %slice3A_107 = vector.extract_strided_slice %mul3A_57 {offsets = [0, 0], sizes = [1, 128], strides = [1, 1]} : vector<6x128xf32> to vector<1x128xf32>
    %add3A_108 = vector.broadcast %slice3A_107 : vector<1x128xf32> to vector<4x128xf32>
    %add3A_109 = arith.addf %add3A_108, %concatenate3A : vector<4x128xf32>
    %slice3A_110 = vector.extract_strided_slice %mul3A_57 {offsets = [1, 0], sizes = [1, 128], strides = [1, 1]} : vector<6x128xf32> to vector<1x128xf32>
    %add3A_111 = vector.broadcast %slice3A_110 : vector<1x128xf32> to vector<4x128xf32>
    %add3A_112 = arith.addf %add3A_111, %concatenate3A : vector<4x128xf32>
    %slice3A_113 = vector.extract_strided_slice %mul3A_57 {offsets = [2, 0], sizes = [1, 128], strides = [1, 1]} : vector<6x128xf32> to vector<1x128xf32>
    %add3A_114 = vector.broadcast %slice3A_113 : vector<1x128xf32> to vector<4x128xf32>
    %add3A_115 = arith.addf %add3A_114, %concatenate3A : vector<4x128xf32>
    %slice3A_116 = vector.extract_strided_slice %mul3A_57 {offsets = [3, 0], sizes = [1, 128], strides = [1, 1]} : vector<6x128xf32> to vector<1x128xf32>
    %add3A_117 = vector.broadcast %slice3A_116 : vector<1x128xf32> to vector<4x128xf32>
    %add3A_118 = arith.addf %add3A_117, %concatenate3A : vector<4x128xf32>
    %slice3A_119 = vector.extract_strided_slice %mul3A_57 {offsets = [4, 0], sizes = [1, 128], strides = [1, 1]} : vector<6x128xf32> to vector<1x128xf32>
    %add3A_120 = vector.broadcast %slice3A_119 : vector<1x128xf32> to vector<4x128xf32>
    %add3A_121 = arith.addf %add3A_120, %concatenate3A : vector<4x128xf32>
    %slice3A_122 = vector.extract_strided_slice %mul3A_57 {offsets = [5, 0], sizes = [1, 128], strides = [1, 1]} : vector<6x128xf32> to vector<1x128xf32>
    %add3A_123 = vector.broadcast %slice3A_122 : vector<1x128xf32> to vector<4x128xf32>
    %add3A_124 = arith.addf %add3A_123, %concatenate3A : vector<4x128xf32>
    %concatenate3A_125 = tpu.concatenate %add3A_109, %add3A_112, %add3A_115, %add3A_118, %add3A_121, %add3A_124 in 0 : vector<4x128xf32>, vector<4x128xf32>, vector<4x128xf32>, vector<4x128xf32>, vector<4x128xf32>, vector<4x128xf32> -> vector<24x128xf32>
    %slice3A_126 = vector.extract_strided_slice %mul3A_35 {offsets = [0, 0], sizes = [1, 128], strides = [1, 1]} : vector<12x128xf32> to vector<1x128xf32>
    %add3A_127 = vector.broadcast %slice3A_126 : vector<1x128xf32> to vector<24x128xf32>
    %add3A_128 = arith.addf %add3A_127, %concatenate3A_125 : vector<24x128xf32>
    %slice3A_129 = vector.extract_strided_slice %mul3A_35 {offsets = [1, 0], sizes = [1, 128], strides = [1, 1]} : vector<12x128xf32> to vector<1x128xf32>
    %add3A_130 = vector.broadcast %slice3A_129 : vector<1x128xf32> to vector<24x128xf32>
    %add3A_131 = arith.addf %add3A_130, %concatenate3A_125 : vector<24x128xf32>
    %slice3A_132 = vector.extract_strided_slice %mul3A_35 {offsets = [2, 0], sizes = [1, 128], strides = [1, 1]} : vector<12x128xf32> to vector<1x128xf32>
    %add3A_133 = vector.broadcast %slice3A_132 : vector<1x128xf32> to vector<24x128xf32>
    %add3A_134 = arith.addf %add3A_133, %concatenate3A_125 : vector<24x128xf32>
    %slice3A_135 = vector.extract_strided_slice %mul3A_35 {offsets = [3, 0], sizes = [1, 128], strides = [1, 1]} : vector<12x128xf32> to vector<1x128xf32>
    %add3A_136 = vector.broadcast %slice3A_135 : vector<1x128xf32> to vector<24x128xf32>
    %add3A_137 = arith.addf %add3A_136, %concatenate3A_125 : vector<24x128xf32>
    %slice3A_138 = vector.extract_strided_slice %mul3A_35 {offsets = [4, 0], sizes = [1, 128], strides = [1, 1]} : vector<12x128xf32> to vector<1x128xf32>
    %add3A_139 = vector.broadcast %slice3A_138 : vector<1x128xf32> to vector<24x128xf32>
    %add3A_140 = arith.addf %add3A_139, %concatenate3A_125 : vector<24x128xf32>
    %slice3A_141 = vector.extract_strided_slice %mul3A_35 {offsets = [5, 0], sizes = [1, 128], strides = [1, 1]} : vector<12x128xf32> to vector<1x128xf32>
    %add3A_142 = vector.broadcast %slice3A_141 : vector<1x128xf32> to vector<24x128xf32>
    %add3A_143 = arith.addf %add3A_142, %concatenate3A_125 : vector<24x128xf32>
    %slice3A_144 = vector.extract_strided_slice %mul3A_35 {offsets = [6, 0], sizes = [1, 128], strides = [1, 1]} : vector<12x128xf32> to vector<1x128xf32>
    %add3A_145 = vector.broadcast %slice3A_144 : vector<1x128xf32> to vector<24x128xf32>
    %add3A_146 = arith.addf %add3A_145, %concatenate3A_125 : vector<24x128xf32>
    %slice3A_147 = vector.extract_strided_slice %mul3A_35 {offsets = [7, 0], sizes = [1, 128], strides = [1, 1]} : vector<12x128xf32> to vector<1x128xf32>
    %add3A_148 = vector.broadcast %slice3A_147 : vector<1x128xf32> to vector<24x128xf32>
    %add3A_149 = arith.addf %add3A_148, %concatenate3A_125 : vector<24x128xf32>
    %slice3A_150 = vector.extract_strided_slice %mul3A_35 {offsets = [8, 0], sizes = [1, 128], strides = [1, 1]} : vector<12x128xf32> to vector<1x128xf32>
    %add3A_151 = vector.broadcast %slice3A_150 : vector<1x128xf32> to vector<24x128xf32>
    %add3A_152 = arith.addf %add3A_151, %concatenate3A_125 : vector<24x128xf32>
    %slice3A_153 = vector.extract_strided_slice %mul3A_35 {offsets = [9, 0], sizes = [1, 128], strides = [1, 1]} : vector<12x128xf32> to vector<1x128xf32>
    %add3A_154 = vector.broadcast %slice3A_153 : vector<1x128xf32> to vector<24x128xf32>
    %add3A_155 = arith.addf %add3A_154, %concatenate3A_125 : vector<24x128xf32>
    %slice3A_156 = vector.extract_strided_slice %mul3A_35 {offsets = [10, 0], sizes = [1, 128], strides = [1, 1]} : vector<12x128xf32> to vector<1x128xf32>
    %add3A_157 = vector.broadcast %slice3A_156 : vector<1x128xf32> to vector<24x128xf32>
    %add3A_158 = arith.addf %add3A_157, %concatenate3A_125 : vector<24x128xf32>
    %slice3A_159 = vector.extract_strided_slice %mul3A_35 {offsets = [11, 0], sizes = [1, 128], strides = [1, 1]} : vector<12x128xf32> to vector<1x128xf32>
    %add3A_160 = vector.broadcast %slice3A_159 : vector<1x128xf32> to vector<24x128xf32>
    %add3A_161 = arith.addf %add3A_160, %concatenate3A_125 : vector<24x128xf32>
    %concatenate3A_162 = tpu.concatenate %add3A_128, %add3A_131, %add3A_134, %add3A_137, %add3A_140, %add3A_143, %add3A_146, %add3A_149, %add3A_152, %add3A_155, %add3A_158, %add3A_161 in 0 : vector<24x128xf32>, vector<24x128xf32>, vector<24x128xf32>, vector<24x128xf32>, vector<24x128xf32>, vector<24x128xf32>, vector<24x128xf32>, vector<24x128xf32>, vector<24x128xf32>, vector<24x128xf32>, vector<24x128xf32>, vector<24x128xf32> -> vector<288x128xf32>
    %swap3A_163 = arith.constant 0 : index
    %swap3A_164 = arith.constant 0 : index
    %swap3A_165 = vector.load %arg6[%swap3A_163, %swap3A_164] : memref<288x128xf32, #tpu.memory_space<vmem>>, vector<288x128xf32>
    tpu.vector_store %arg6[%swap3A_163, %swap3A_164], %concatenate3A_162 {strides = array<i32>} : memref<288x128xf32, #tpu.memory_space<vmem>>, vector<288x128xf32>,
    return
  }
}

</mosaic_0001>

<sc_bundles>
// kernel: kernel.4.cloned.1.call-start
scs
__scs_entry_jumppad:
0x0: {  	(pc) =	sbr.rel $0x88, $3  }
0x1: {  	(tag) =	ssettag $0x0;
	lr =	simm.s32 $0x1  }
0x2: {  	[smem:$0x3F9B] =	sst lr;
	_ =	strace $0xD0000000  }
0x3: {  	_ = 	snop  }
0x4: {  	_ = 	snop  }
0x5: {  	_ = 	snop  }
0x6: {  	_ = 	snop  }
0x7: {  	_ = 	snop  }
__scs_overlays_trampoline_lowered:
0x8: {  	[smem:$0x3FAA] =	sst s0  }
0x9: {  	[smem:$0x3FAB] =	sst s1  }
0xa: {  	[smem:$0x3FAC] =	sst s2  }
0xb: {  	[smem:$0x3FAD] =	sst s3  }
0xc: {  	[smem:$0x3FAE] =	sst s4  }
0xd: {  	[smem:$0x3FAF] =	sst s5  }
0xe: {  	[smem:$0x3FB0] =	sst s6  }
0xf: {  	[smem:$0x3FB1] =	sst s7  }
0x10: {  	[smem:$0x3FB2] =	sst s8  }
0x11: {  	[smem:$0x3FB3] =	sst s9;
	s0 =	simm.s32 @!p0 $0x0  }
0x12: {  	s1 =	sld [smem:$0x3F99];
	s0 =	simm.s32 @p0 $0x1  }
0x13: {  	[smem:$0x3FB4] =	sst s0;
	s0 =	simm.s32 @!p1 $0x0  }
0x14: {  	s2 =	sld [smem:$0x3F98];
	s0 =	simm.s32 @p1 $0x1  }
0x15: {  	[smem:$0x3FB5] =	sst s0;
	s0 =	simm.s32 @!p2 $0x0  }
0x16: {  	s3 =	sld [smem:$0x3FDB];
	s0 =	simm.s32 @p2 $0x1  }
0x17: {  	s4 =	simm.s32 $0x1BF5;
	[smem:$0x3FB7] =	sst s0  }
0x18: {  	s0 =	sld [smem:$0x3F9A];
	_ =	swait.ge [sflag:s4], $0x0  }
0x19: {  	s7 =	sld [smem:$0x3F9B]  }
0x1a: {  	s8 =	sadd.s32 $0xFFFFE003, lr  }
0x1b: {  	s9 =	sadd.s32 $0xFFFFFEF7, lr;
	s5 =	simm.s32 $0xFFFFFFFF;
	p2 =	slt.u32 s8, $0xFFFFF086  }
0x1c: {  	p1 =	slt.u32 s9, $0xF7A;
	s5 =	simm.s32 @!p2 $0x0  }
0x1d: {  	s5 =	simm.s32 @p1 $0x1;
	p0 =	seq.s32 s7, s2  }
0x1e: {  	s7 =	smul.u32 @!p0 $0xF7A, s2;
	p2 =	seq.s32 @!p0 s5, $0x0  }
0x1f: {  	s9 =	smul.u32 $0xF7A, s1;
	s8 =	simm.s32 @!p0 $0x1BF5;
	p2 =	por !p2, p0  }
0x20: {  	[sflag:s8] =	ssyncset.s32 @!p0 $0xFFFFF086;
	s6 =	sadd.s32 @!p0 s3, s7;
	s7 =	simm.s32 @!p0 $0x108  }
0x21: {  	s3 =	sadd.s32 s3, s9;
	s6 =	sadd.s32 @!p0 $0x88, s6;
	s7 =	simm.s32 @p2 $0x1082  }
0x22: {  	[simem:s7], [sflag:s8] =	dma.local @!p0 [hbm:s6], $0xF7A  }
0x23: {  	s9 =	sor.u32 $0xD0000000, s2;
	s6 =	simm.s32 $0x108;
	_ =	swait.ge @!p0 [sflag:s8], $0x0  }
0x24: {  	s3 =	sadd.s32 $0x88, s3;
	s6 =	simm.s32 @!p1 $0x1082;
	[sflag:s4] =	ssyncset.s32 $0xFFFFF086  }
0x25: {  	[simem:s6], [sflag:s4] =	dma.local [hbm:s3], $0xF7A  }
0x26: {  	[smem:$0x3F9B] =	sst s1;
	(tag) =	ssettag s2;
	_ =	strace s9  }
0x27: {  	s1 =	sld [smem:$0x3FAB]  }
0x28: {  	s2 =	sld [smem:$0x3FAC]  }
0x29: {  	s4 =	sld [smem:$0x3FAE]  }
0x2a: {  	p0 =	seq.s32 s5, $0x0;
	s5 =	sld [smem:$0x3FAF]  }
0x2b: {  	s6 =	sld [smem:$0x3FB0]  }
0x2c: {  	s7 =	sld [smem:$0x3FB1]  }
0x2d: {  	s3 =	simm.s32 $0x108;
	s8 =	sld [smem:$0x3FB2]  }
0x2e: {  	s3 =	simm.s32 @!p0 $0x1082;
	s9 =	sld [smem:$0x3FB3]  }
0x2f: {  	lr =	sadd.s32 s0, s3;
	s0 =	sld [smem:$0x3FAA]  }
0x30: {  	s3 =	sld [smem:$0x3FAD]  }
0x31: {  	[smem:$0x3FB6] =	sst s10  }
0x32: {  	s10 =	sld [smem:$0x3FB4];
	_ =	sdelay $0x3  }
0x33: {  	p0 =	seq.s32 s10, $0x1;
	s10 =	sld [smem:$0x3FB6];
	_ =	sdelay $0x3  }
0x34: {  	[smem:$0x3FB6] =	sst s10  }
0x35: {  	s10 =	sld [smem:$0x3FB5];
	_ =	sdelay $0x3  }
0x36: {  	p1 =	seq.s32 s10, $0x1;
	s10 =	sld [smem:$0x3FB6];
	_ =	sdelay $0x3  }
0x37: {  	[smem:$0x3FB6] =	sst s10  }
0x38: {  	s10 =	sld [smem:$0x3FB7]  }
0x39: {  	_ = 	snop;
	(pc) =	sbr.ind lr, $3  }
0x3a: {  	_ = 	snop  }
0x3b: {  	_ = 	snop  }
0x3c: {  	p2 =	seq.s32 s10, $0x1;
	s10 =	sld [smem:$0x3FB6]  }
0x3d: {  	_ =	shalt  }
0x3e: {  	_ =	shalt  }
0x3f: {  	_ =	shalt  }
0x40: {  	_ =	shalt  }
0x41: {  	_ =	shalt  }
0x42: {  	_ =	shalt  }
0x43: {  	_ =	shalt  }
0x44: {  	_ =	shalt  }
0x45: {  	_ =	shalt  }
0x46: {  	_ =	shalt  }
0x47: {  	_ =	shalt  }
0x48: {  	_ =	shalt  }
0x49: {  	_ =	shalt  }
0x4a: {  	_ =	shalt  }
0x4b: {  	_ =	shalt  }
0x4c: {  	_ =	shalt  }
0x4d: {  	_ =	shalt  }
0x4e: {  	_ =	shalt  }
0x4f: {  	_ =	shalt  }
0x50: {  	_ =	shalt  }
0x51: {  	_ =	shalt  }
0x52: {  	_ =	shalt  }
0x53: {  	_ =	shalt  }
0x54: {  	_ =	shalt  }
0x55: {  	_ =	shalt  }
0x56: {  	_ =	shalt  }
0x57: {  	_ =	shalt  }
0x58: {  	_ =	shalt  }
0x59: {  	_ =	shalt  }
0x5a: {  	_ =	shalt  }
0x5b: {  	_ =	shalt  }
0x5c: {  	_ =	shalt  }
0x5d: {  	_ =	shalt  }
0x5e: {  	_ =	shalt  }
0x5f: {  	_ =	shalt  }
0x60: {  	_ =	shalt  }
0x61: {  	_ =	shalt  }
0x62: {  	_ =	shalt  }
0x63: {  	_ =	shalt  }
0x64: {  	_ =	shalt  }
0x65: {  	_ =	shalt  }
0x66: {  	_ =	shalt  }
0x67: {  	_ =	shalt  }
0x68: {  	_ =	shalt  }
0x69: {  	_ =	shalt  }
0x6a: {  	_ =	shalt  }
0x6b: {  	_ =	shalt  }
0x6c: {  	_ =	shalt  }
0x6d: {  	_ =	shalt  }
0x6e: {  	_ =	shalt  }
0x6f: {  	_ =	shalt  }
0x70: {  	_ =	shalt  }
0x71: {  	_ =	shalt  }
0x72: {  	_ =	shalt  }
0x73: {  	_ =	shalt  }
0x74: {  	_ =	shalt  }
0x75: {  	_ =	shalt  }
0x76: {  	_ =	shalt  }
0x77: {  	_ =	shalt  }
0x78: {  	_ =	shalt  }
0x79: {  	_ =	shalt  }
0x7a: {  	_ =	shalt  }
0x7b: {  	_ =	shalt  }
0x7c: {  	_ =	shalt  }
0x7d: {  	_ =	shalt  }
0x7e: {  	_ =	shalt  }
0x7f: {  	_ =	shalt  }
0x80: {  	_ =	shalt  }
0x81: {  	_ =	shalt  }
0x82: {  	_ =	shalt  }
0x83: {  	_ =	shalt  }
0x84: {  	_ =	shalt  }
0x85: {  	_ =	shalt  }
0x86: {  	_ =	shalt  }
0x87: {  	_ =	shalt  }
.Lfunc_end0:
.L_simem_size_0:
called_computation_lowered:
.L_overlay_start_0:
0x88: {  	s2 =	sld [smem:$0x3FD9]  }
0x89: {  	s3 =	sld [smem:$0x3FFE];
	_ =	sdelay $0x1  }
0x8a: {  	s1 =	srdreg.scid  }
0x8b: {  	s0 =	sand.u32 $0x1, s1  }
0x8c: {  	s17 =	sshll.u32 s0, $0xA;
	s2 =	sadd.s32 s3, s2  }
0x8d: {  	s2 =	sadd.s32 s2, s17  }
0x8e: {  	[smem:$0x3FC2] =	sst s2  }
0x8f: {  	_ = 	snop  }
0x90: {  	s2 =	sld [smem:$0x3FD0];
	(tm) =	ssettm $0x1  }
0x91: {  	s18 =	sld [smem:$0x3FFB];
	_ =	sdelay $0x3  }
0x92: {  	_ =	strace s18  }
0x93: {  	s3 =	sld [smem:$0x3FFC];
	_ =	sdelay $0x3  }
0x94: {  	_ =	strace s3  }
0x95: {  	s3 =	sld [smem:$0x3FFD];
	_ =	sdelay $0x3  }
0x96: {  	_ =	strace s3  }
0x97: {  	_ =	strace $0x8FFFFFFF  }
0x98: {  	s19 =	sld [smem:$0x3FDB];
	_ =	sdelay $0x1  }
0x99: {  	s4 =	simm.s32 $_scs_section_size  }
0x9a: {  	s5 =	simm.s32 $_size__tile_overlayer_lowered;
	s6 =	simm.s32 $_tile_overlayer_lowered  }
0x9b: {  	s22 =	simm.s32 $0x1BFF;
	s21 =	sshll.u32 s6, $0x1;
	s3 =	sadd.s32 s4, s19  }
0x9c: {  	s7 =	simm.s32 $0x0;
	s20 =	sshll.u32 s5, $0x1;
	s5 =	sadd.s32 s21, s3  }
0x9d: {  	[timem:s7], [sflag:s22] =	dma.local [hbm:s5], s20  }
0x9e: {  	_ =	swait.ge [sflag:s22], s20  }
0x9f: {  	s4 =	ssub.s32 $0x0, s20;
	[sflag:s22] =	ssyncset.done $0x0  }
0xa0: {  	[sflag:s22] =	ssyncadd.s32 s4;
	_ =	sdelay $0x1  }
0xa1: {  	s23 =	simm.s32 $0x1B8B  }
0xa2: {  	_ =	swait.ge [sflag:s23], $0x1  }
0xa3: {  	[sflag:s23] =	ssyncset.done $0x0  }
0xa4: {  	s25 =	simm.s32 $0x1B8E;
	s24 =	sld [smem:$0x3FFE];
	[sflag:s23] =	ssyncadd.s32 $0xFFFFFFFF  }
0xa5: {  	s26 =	simm.s32 $execute0_lowered;
	[smem:$0x3FD2] =	sst s25  }
0xa6: {  	s5 =	sshll.u32 s26, $0x1;
	_ =	strace $0x80000046;
	[dreg:$0x1] =	wrdreg $0xFFFFFFFF  }
0xa7: {  	s28 =	simm.s32 $_size_execute0_lowered;
	s3 =	sadd.s32 s3, s5;
	[dreg:$0x0] =	wrdreg $0x0  }
0xa8: {  	s5 =	sshll.u32 s28, $0x1;
	[dreg:$0x2] =	wrdreg s3  }
0xa9: {  	[dreg:$0x3] =	wrdreg s5  }
0xaa: {  	[dreg:$0x4] =	wrdreg $0xC0  }
0xab: {  	_ =	task [dreg:s7], $0x5FFFF  }
0xac: {  	[dreg:$0x1] =	wrdreg $0xFFFFFFFF  }
0xad: {  	[dreg:$0x0] =	wrdreg $0x60  }
0xae: {  	[dreg:$0x2] =	wrdreg s24  }
0xaf: {  	[dreg:$0x3] =	wrdreg s2  }
0xb0: {  	[dreg:$0x4] =	wrdreg $0x9  }
0xb1: {  	_ =	task.clear_ibuf [dreg:s7], $0x5FFFF;
	_ =	strace $0x90000046  }
0xb2: {  	s29 =	simm.s32 $0x9;
	_ =	strace $0x80000048  }
0xb3: {  	_ =	swait.ge [sflag:s29], $0x1  }
0xb4: {  	[sflag:s29] =	ssyncadd.s32 $0xFFFFFFFF  }
0xb5: {  	_ =	strace $0x90000048  }
0xb6: {  	_ =	sfence  }
0xb7: {  	s30 =	sld [smem:$0x0];
	_ =	sdelay $0x2  }
0xb8: {  	s31 =	sshll.u32 s1, $0xD;
	s1 =	sshrl.u32 s1, $0x2  }
0xb9: {  	s3 =	sand.u32 $0x4000, s31;
	s1 =	sadd.s32 s1, s30  }
0xba: {  	s0 =	sor.u32 s3, s0;
	s1 =	sshll.u32 s1, $0x11  }
0xbb: {  	s0 =	sor.u32 s1, s0  }
0xbc: {  	s0 =	sadd.s32 $0x8F2B, s0  }
0xbd: {  	[sflag:s0] =	ssyncadd.remote.s32 $0x1  }
0xbe: {  	_ =	sfence.sel $0xFFFF  }
0xbf: {  	[dreg:$0x0] =	wrdreg $0xFFFFFFFF;
	(pc) =	sbr.abs _section_cstart, $3  }
0xc0: {  	[dreg:$0x1] =	wrdreg $0xFFFFFFFF  }
0xc1: {  	_ =	task.clear_ibuf [dreg:s7], $0x2FFFF;
	_ =	strace $0x9FFFFFFF  }
0xc2: {  	(tm) =	ssettm $0x7FFFFFFF  }
0xc3: {  	_ =	shalt  }
tec
execute0_lowered:
.L_overlay_start_1:
0x0: {  	(tag) =	ssettag $0x1  }
0x1: {  	s1 =	srdreg.scid;
	s5 =	rddreg [dreg:$0x0]  }
0x2: {  	s0 =	stileid.u32;
	s10 =	rddreg [dreg:$0x1];
	s2 =	simm.s32 $0x0  }
0x3: {  	s13 =	simm.s32 $0x1900;
	s14 =	simm.s32 $0x2580;
	s15 =	simm.s32 $0x3200  }
0x4: {  	s16 =	simm.s32 $0x3E80;
	s3 =	sand.u32 $0x1, s1;
	s29 =	sshll.u32 s0, $0x1  }
0x5: {  	s17 =	simm.s32 $0x7A80;
	s18 =	simm.s32 $0x1;
	s4 =	sor.u32 s3, s29  }
0x6: {  	s19 =	simm.s32 $0x10A80;
	s1 =	rddreg [dreg:$0x2];
	s6 =	smul.u32 $0xC32, s4  }
0x7: {  	s20 =	simm.s32 $0x0;
	[smem:$0x7FF] =	sst s2;
	s30 =	ssub.s32 $0x2, s3  }
0x8: {  	p0 =	seq.s32 s4, $0x1F;
	s7 =	sshrl.u32 s30, $0x1;
	s9 =	sand.u32 $0x1FFF8, s6  }
0x9: {  	_ =	strace $0x80000047;
	s11 =	ssub.s32 s30, s7;
	s9 =	simm.s32 @p0 $0x17A20  }
0xa: {  	s3 =	sadd.s32 $0x10C00, s5;
	s11 =	smax.u32 s11, $0x1;
	s31 =	sshrl.u32 s9, $0x3  }
0xb: {  	s12 =	sshll.u32 s9, $0x4;
	s4 =	sadd.s32 s5, s31;
	s5 =	sadd.s32 $0xFA00, s5  }
0xc: {  	v0 =	vlaneseq.u32;
	s10 =	sadd.s32 s10, s12;
	s12 =	simm.s32 $0xC80;
	s6 =	sadd.s32 $0xC800, s4  }
0xd: {  	v1 =	vmul.u32 $0x80, v0;
	s7 =	sadd.s32 $0x9600, s4;
	s8 =	sadd.s32 $0x6400, s4;
	s9 =	sadd.s32 $0x3200, s4  }
.LBB2_1:
0xe: {  	[tilespmem:s2], [sflag:$0x1] =	stream.linear.gather [hbm4b:s6+s2], $0xC80, $0x38;
	[tilespmem:$0x18A80] =	vst v63  }
0xf: {  	_ = 	snop  }
0x10: {  	[tilespmem:s12], [sflag:$0x1] =	stream.linear.gather [hbm4b:s7+s2], $0xC80, $0x38;
	[tilespmem:$0x18A80] =	vst v63  }
0x11: {  	_ = 	snop  }
0x12: {  	[tilespmem:s13], [sflag:$0x1] =	stream.linear.gather [hbm4b:s8+s2], $0xC80, $0x38;
	[tilespmem:$0x18A80] =	vst v63  }
0x13: {  	_ = 	snop  }
0x14: {  	[tilespmem:s14], [sflag:$0x1] =	stream.linear.gather [hbm4b:s9+s2], $0xC80, $0x38;
	[tilespmem:$0x18A80] =	vst v63  }
0x15: {  	_ = 	snop  }
0x16: {  	[tilespmem:s15], [sflag:$0x1] =	stream.linear.gather [hbm4b:s4+s2], $0xC80, $0x38;
	[tilespmem:$0x18A80] =	vst v63  }
0x17: {  	_ = 	snop  }
0x18: {  	[tilespmem:s16], [sflag:$0x1] =	stream.linear.gather [hbm4b:s3+s2], $0x3B80, $0x38;
	[tilespmem:$0x18A80] =	vst v63  }
0x19: {  	_ = 	snop  }
0x1a: {  	[tilespmem:s17], [sflag:$0x1] =	stream.linear.gather [hbm4b:s5+s2], $0x9000, $0x38;
	[tilespmem:$0x18A80] =	vst v63  }
0x1b: {  	_ =	swait.ge [sflag:s18], $0xC80  }
0x1c: {  	[sflag:s18] =	ssyncset.done $0x0  }
0x1d: {  	[sflag:s18] =	ssyncadd.s32 $0xFFFFF380  }
0x1e: {  	_ =	swait.ge [sflag:s18], $0xC80  }
0x1f: {  	[sflag:s18] =	ssyncset.done $0x0  }
0x20: {  	[sflag:s18] =	ssyncadd.s32 $0xFFFFF380  }
0x21: {  	_ =	swait.ge [sflag:s18], $0xC80  }
0x22: {  	[sflag:s18] =	ssyncset.done $0x0  }
0x23: {  	[sflag:s18] =	ssyncadd.s32 $0xFFFFF380  }
0x24: {  	_ =	swait.ge [sflag:s18], $0xC80  }
0x25: {  	[sflag:s18] =	ssyncset.done $0x0  }
0x26: {  	[sflag:s18] =	ssyncadd.s32 $0xFFFFF380  }
0x27: {  	_ =	swait.ge [sflag:s18], $0xC80  }
0x28: {  	[sflag:s18] =	ssyncset.done $0x0  }
0x29: {  	[sflag:s18] =	ssyncadd.s32 $0xFFFFF380  }
0x2a: {  	_ =	swait.ge [sflag:s18], $0x3B80  }
0x2b: {  	[sflag:s18] =	ssyncset.done $0x0  }
0x2c: {  	[sflag:s18] =	ssyncadd.s32 $0xFFFFC480  }
0x2d: {  	_ =	swait.ge [sflag:s18], $0x9000  }
0x2e: {  	[sflag:s18] =	ssyncset.done $0x0  }
0x2f: {  	s21 =	simm.s32 $0x0;
	[sflag:s18] =	ssyncadd.s32 $0xFFFF7000  }
.LBB2_2:
0x30: {  	p0 =	slt.u32 s21, $0x2  }
0x31: {  	s23 =	simm.s32 @!p0 $0x1  }
0x32: {  	s22 =	sand.u32 $0x1, s21;
	_ =	swait.ge @!p0 [sflag:s23], $0x4000  }
0x33: {  	s24 =	sshll.u32 s21, $0x7;
	s22 =	sshll.u32 s22, $0xE;
	[sflag:s23] =	ssyncset.done @!p0 $0x0  }
0x34: {  	v3 =	vmov s24;
	s24 =	simm.s32 $0x0;
	v2 =	vmov s22;
	[sflag:s23] =	ssyncadd.s32 @!p0 $0xFFFFC000;
	s23 =	simm.s32 $0x0  }
.LBB2_3:
0x35: {  	_ =	sdelay $0x2  }
0x36: {  	s25 =	sshll.u32 s24, $0x4  }
0x37: {  	v4 =	vld.idx.msk [tilespmem:v3+s25+$0xC80 ss:$0x1], $0xffff  }
0x38: {  	v5 =	vld.idx.msk [tilespmem:v3+s25+$0x1900 ss:$0x1], $0xffff  }
0x39: {  	v6 =	vld.idx.msk [tilespmem:v3+s25+$0x2580 ss:$0x1], $0xffff  }
0x3a: {  	v7 =	vld.idx.msk [tilespmem:v3+s25+$0x3200 ss:$0x1], $0xffff  }
0x3b: {  	s31 =	simm.s32 $0x3;
	s29 =	simm.s32 $0x4;
	v9 =	vadd.s32 s23, v0;
	v8 =	vld.idx.msk [tilespmem:v3+s25+$0x0 ss:$0x1], $0xffff  }
0x3c: {  	s28 =	simm.s32 $0x7;
	v10 =	vadd.s32 s29, v0;
	v11 =	vadd.s32 s31, v0;
	v4 =	vmul.u32 $0x18, v4  }
0x3d: {  	v12 =	vadd.s32 s28, v0;
	v9 =	vand.u32 $0x7F, v9;
	v5 =	vshll.u32 v5, $0x2  }
0x3e: {  	v4 =	vadd.s32 v4, v5;
	v5 =	vshll.u32 v6, $0x1;
	v6 =	vmov s25  }
0x3f: {  	v15 =	vand.u32 $0x7F, v11;
	v4 =	vadd.s32 v5, v4;
	v5 =	vshll.u32 v6, $0x7  }
0x40: {  	v4 =	vadd.s32 v7, v4;
	v7 =	vor.u32 v1, v5;
	v5 =	vshll.u32 v8, $0x7  }
0x41: {  	s26 =	simm.s32 $0x2;
	v10 =	vand.u32 $0x7F, v10;
	v12 =	vand.u32 $0x7F, v12;
	v11 =	vor.u32 v5, v15  }
0x42: {  	s30 =	simm.s32 $0x1;
	v8 =	vadd.s32 s26, v0;
	v6 =	vshll.u32 v4, $0x7;
	v29 =	vor.u32 v5, v12  }
0x43: {  	v4 =	vadd.s32 v2, v7;
	v7 =	vadd.s32 s30, v0;
	v17 =	vor.u32 v5, v10  }
0x44: {  	s30 =	simm.s32 $0x5;
	v19 =	vand.u32 $0x7F, v8;
	v18 =	vor.u32 v4, v10;
	v10 =	vor.u32 v6, v10  }
0x45: {  	v7 =	vand.u32 $0x7F, v7;
	v8 =	vadd.s32 s30, v0;
	v22 =	vor.u32 v6, v9  }
0x46: {  	s31 =	simm.s32 $0x6;
	v25 =	vor.u32 v6, v12;
	v23 =	vand.u32 $0x7F, v8;
	v8 =	vor.u32 v4, v12;
	v12 =	vld.idx.msk [tilespmem:v11+s16+$0x0], $0xffff  }
0x47: {  	v21 =	vadd.s32 s31, v0;
	v13 =	vor.u32 v5, v7;
	v34 =	vld.idx.msk [tilespmem:v29+s16+$0x0], $0xffff  }
0x48: {  	v21 =	vand.u32 $0x7F, v21;
	v20 =	vor.u32 v5, v9;
	v14 =	vor.u32 v6, v7;
	v44 =	vld.idx.msk [tilespmem:v17+s16+$0x0], $0xffff  }
0x49: {  	v27 =	vor.u32 v5, v21;
	v26 =	vor.u32 v6, v21;
	v37 =	vor.u32 v4, v21;
	v21 =	vld.idx.msk [tilespmem:v10+s17+$0x0], $0xffff  }
0x4a: {  	v16 =	vor.u32 v6, v15;
	v31 =	vor.u32 v4, v7;
	v7 =	vld.idx.msk [tilespmem:v22+s17+$0x0], $0xffff  }
0x4b: {  	s29 =	simm.s32 $0xA;
	v28 =	vor.u32 v6, v23;
	v36 =	vld.idx.msk [tilespmem:v25+s17+$0x0], $0xffff  }
0x4c: {  	v32 =	vadd.s32 s29, v0;
	v30 =	vor.u32 v6, v19;
	v15 =	vor.u32 v4, v15;
	v24 =	vld.idx.msk [tilespmem:v13+s16+$0x0], $0xffff  }
0x4d: {  	s30 =	simm.s32 $0xC;
	v39 =	vor.u32 v4, v23;
	v23 =	vor.u32 v5, v23;
	v11 =	vor.u32 v4, v9;
	v14 =	vld.idx.msk [tilespmem:v14+s17+$0x0], $0xffff  }
0x4e: {  	s28 =	simm.s32 $0x8;
	s26 =	simm.s32 $0x9;
	v9 =	vor.u32 v4, v19;
	v19 =	vor.u32 v5, v19;
	v22 =	vadd.s32 s30, v0;
	v13 =	vld.idx.msk [tilespmem:v20+s16+$0x0], $0xffff  }
0x4f: {  	s29 =	simm.s32 $0xB;
	v10 =	vadd.s32 s26, v0;
	v20 =	vld.idx.msk [tilespmem:v16+s17+$0x0], $0xffff;
	v16 =	vadd.s32 s28, v0;
	v22 =	vand.u32 $0x7F, v22  }
0x50: {  	v40 =	vld.idx.msk [tilespmem:v28+s17+$0x0], $0xffff;
	v28 =	vand.u32 $0x7F, v10;
	v10 =	vadd.s32 s29, v0;
	v41 =	vand.u32 $0x7F, v16  }
0x51: {  	v33 =	vor.u32 v5, v28;
	v35 =	vor.u32 v6, v28;
	v16 =	vand.u32 $0x7F, v10  }
0x52: {  	v10 =	vor.u32 v4, v22;
	v29 =	vor.u32 v6, v41;
	v14 =	vadd.f32 v14, v24  }
0x53: {  	v28 =	vor.u32 v4, v28;
	v42 =	vor.u32 v5, v16;
	v21 =	vadd.f32 v21, v44  }
0x54: {  	s31 =	simm.s32 $0xF;
	v46 =	vld.idx.msk [tilespmem:v27+s16+$0x0], $0xffff;
	v43 =	vor.u32 v6, v16;
	[tilespmem:v31+s19+$0x0] =	vst.idx.msk $0xffff, v14;
	v14 =	vadd.f32 v20, v12  }
0x55: {  	v27 =	vand.u32 $0x7F, v32;
	v34 =	vadd.f32 v36, v34;
	v24 =	vadd.s32 s31, v0;
	s31 =	simm.s32 $0xD;
	[tilespmem:v18+s19+$0x0] =	vst.idx.msk $0xffff, v21;
	v31 =	vld.idx.msk [tilespmem:v26+s17+$0x0], $0xffff  }
0x56: {  	v45 =	vand.u32 $0x7F, v24;
	v17 =	vadd.s32 s31, v0;
	v21 =	vor.u32 v4, v41;
	[tilespmem:v15+s19+$0x0] =	vst.idx.msk $0xffff, v14;
	v15 =	vld.idx.msk [tilespmem:v23+s16+$0x0], $0xffff  }
0x57: {  	s30 =	simm.s32 $0xE;
	v38 =	vld.idx.msk [tilespmem:v30+s17+$0x0], $0xffff;
	v18 =	vor.u32 v4, v27;
	v12 =	vor.u32 v5, v22;
	v23 =	vor.u32 v5, v41  }
0x58: {  	v26 =	vor.u32 v6, v22;
	v20 =	vadd.s32 s30, v0;
	v47 =	vand.u32 $0x7F, v17;
	v24 =	vld.idx.msk [tilespmem:v33+s16+$0x0], $0xffff  }
0x59: {  	v22 =	vor.u32 v6, v45;
	v33 =	vld.idx.msk [tilespmem:v19+s16+$0x0], $0xffff;
	v32 =	vor.u32 v5, v45;
	v19 =	vor.u32 v4, v45  }
0x5a: {  	v35 =	vld.idx.msk [tilespmem:v35+s17+$0x0], $0xffff;
	v17 =	vor.u32 v4, v47;
	v48 =	vand.u32 $0x7F, v20;
	v31 =	vadd.f32 v31, v46  }
0x5b: {  	v36 =	vor.u32 v6, v47;
	v30 =	vld.idx.msk [tilespmem:v42+s16+$0x0], $0xffff;
	v20 =	vor.u32 v5, v48;
	v40 =	vadd.f32 v40, v15  }
0x5c: {  	v25 =	vor.u32 v6, v48;
	v14 =	vor.u32 v6, v27;
	v23 =	vld.idx.msk [tilespmem:v23+s16+$0x0], $0xffff;
	[tilespmem:v37+s19+$0x0] =	vst.idx.msk $0xffff, v31  }
0x5d: {  	s25 =	simm.s32 $0x10;
	v37 =	vld.idx.msk [tilespmem:v43+s17+$0x0], $0xffff;
	v31 =	vor.u32 v5, v47;
	v15 =	vor.u32 v4, v48;
	[tilespmem:v39+s19+$0x0] =	vst.idx.msk $0xffff, v40  }
.LBB2_4:
0x5e: {  	s26 =	sadd.s32 $0x1, s25;
	s28 =	sadd.s32 $0x2, s25;
	s29 =	sadd.s32 $0x7, s25;
	v39 =	vor.u32 v5, v27;
	v40 =	vor.u32 v4, v16;
	v41 =	vld.idx.msk [tilespmem:v26+s17+$0x0], $0xffff;
	v13 =	vadd.f32 v7, v13  }
0x5f: {  	s30 =	sadd.s32 $0x6, s25;
	v26 =	vadd.f32 v38, v33;
	v16 =	vadd.s32 s26, v0;
	v27 =	vadd.s32 s28, v0;
	s26 =	sadd.s32 $0x3, s25;
	s28 =	sadd.s32 $0x4, s25;
	v7 =	vld.idx.msk [tilespmem:v29+s17+$0x0], $0xffff;
	[tilespmem:v8+s19+$0x0] =	vst.idx.msk $0xffff, v34  }
0x60: {  	p0 =	slt.u32 s25, $0x78;
	v8 =	vadd.s32 s25, v0;
	v24 =	vadd.f32 v35, v24;
	v29 =	vadd.s32 s28, v0;
	s28 =	sadd.s32 $0x5, s25;
	s25 =	sadd.s32 $0x8, s25;
	v42 =	vld.idx.msk [tilespmem:v36+s17+$0x0], $0xffff;
	[tilespmem:v11+s19+$0x0] =	vst.idx.msk $0xffff, v13  }
0x61: {  	v44 =	vmovc v10;
	v43 =	vand.u32 $0x7F, v16;
	v11 =	vadd.s32 s26, v0;
	v13 =	vadd.s32 s29, v0;
	v32 =	vld.idx.msk [tilespmem:v32+s16+$0x0], $0xffff;
	[tilespmem:v9+s19+$0x0] =	vst.idx.msk $0xffff, v26  }
0x62: {  	v46 =	vmovc v17;
	v45 =	vand.u32 $0x7F, v8;
	v9 =	vor.u32 v5, v43;
	v35 =	vor.u32 v6, v43;
	v34 =	vld.idx.msk [tilespmem:v22+s17+$0x0], $0xffff  }
0x63: {  	v16 =	vand.u32 $0x7F, v11;
	v17 =	vand.u32 $0x7F, v29;
	v11 =	vadd.f32 v37, v30;
	[tilespmem:v28+s19+$0x0] =	vst.idx.msk $0xffff, v24;
	v28 =	vld.idx.msk [tilespmem:v25+s17+$0x0], $0xffff  }
0x64: {  	v30 =	vor.u32 v5, v16;
	v37 =	vor.u32 v6, v16;
	v10 =	vor.u32 v4, v17;
	v47 =	vld.idx.msk [tilespmem:v12+s16+$0x0], $0xffff  }
0x65: {  	v48 =	vand.u32 $0x7F, v13;
	v26 =	vor.u32 v6, v17;
	v8 =	vmovc v19;
	v12 =	vor.u32 v5, v17;
	v49 =	vld.idx.msk [tilespmem:v20+s16+$0x0], $0xffff  }
0x66: {  	v27 =	vand.u32 $0x7F, v27;
	v19 =	vadd.s32 s30, v0;
	v13 =	vmovc v23;
	v17 =	vadd.s32 s28, v0;
	[tilespmem:v40+s19+$0x0] =	vst.idx.msk $0xffff, v11;
	v31 =	vld.idx.msk [tilespmem:v31+s16+$0x0], $0xffff  }
0x67: {  	v29 =	vor.u32 v6, v45;
	v23 =	vor.u32 v5, v45;
	v40 =	vand.u32 $0x7F, v17;
	v11 =	vmovc v21;
	v24 =	vld.idx.msk [tilespmem:v9+s16+$0x0], $0xffff  }
0x68: {  	v22 =	vor.u32 v6, v48;
	v50 =	vand.u32 $0x7F, v19;
	v17 =	vor.u32 v4, v40;
	v9 =	vmovc v18  }
0x69: {  	v25 =	vor.u32 v6, v50;
	v20 =	vor.u32 v5, v50;
	v34 =	vadd.f32 v34, v32;
	v33 =	vld.idx.msk [tilespmem:v39+s16+$0x0], $0xffff  }
.Ltmp0:
0x6a: {  	v36 =	vor.u32 v6, v40;
	v32 =	vor.u32 v5, v48;
	v18 =	vadd.f32 v41, v47;
	v38 =	vld.idx.msk [tilespmem:v14+s17+$0x0], $0xffff;
	(pc) =	sbr.rel @p0 .LBB2_4-.Ltmp0, $4  }
0x6b: {  	v19 =	vor.u32 v4, v48;
	v14 =	vor.u32 v6, v27;
	v39 =	vadd.f32 v28, v49;
	v35 =	vld.idx.msk [tilespmem:v35+s17+$0x0], $0xffff  }
0x6c: {  	v28 =	vor.u32 v4, v43;
	v41 =	vadd.f32 v42, v31;
	v30 =	vld.idx.msk [tilespmem:v30+s16+$0x0], $0xffff;
	[tilespmem:v44+s19+$0x0] =	vst.idx.msk $0xffff, v18  }
0x6d: {  	v21 =	vor.u32 v4, v45;
	v18 =	vor.u32 v4, v27;
	v23 =	vld.idx.msk [tilespmem:v23+s16+$0x0], $0xffff;
	[tilespmem:v15+s19+$0x0] =	vst.idx.msk $0xffff, v39  }
0x6e: {  	v31 =	vor.u32 v5, v40;
	v15 =	vor.u32 v4, v50;
	v37 =	vld.idx.msk [tilespmem:v37+s17+$0x0], $0xffff;
	[tilespmem:v46+s19+$0x0] =	vst.idx.msk $0xffff, v41  }
0x6f: {  	_ =	sdelay $0x3  }
0x70: {  	v6 =	vld.idx.msk [tilespmem:v26+s17+$0x0], $0xffff  }
0x71: {  	v54 =	vld.idx.msk [tilespmem:v29+s17+$0x0], $0xffff  }
0x72: {  	v55 =	vld.idx.msk [tilespmem:v36+s17+$0x0], $0xffff  }
0x73: {  	v32 =	vld.idx.msk [tilespmem:v32+s16+$0x0], $0xffff  }
0x74: {  	v25 =	vld.idx.msk [tilespmem:v25+s17+$0x0], $0xffff  }
0x75: {  	v5 =	vor.u32 v5, v27;
	v12 =	vld.idx.msk [tilespmem:v12+s16+$0x0], $0xffff  }
0x76: {  	v4 =	vor.u32 v4, v16;
	v7 =	vadd.f32 v7, v13;
	v58 =	vld.idx.msk [tilespmem:v31+s16+$0x0], $0xffff  }
0x77: {  	v56 =	vld.idx.msk [tilespmem:v20+s16+$0x0], $0xffff;
	v57 =	vadd.f32 v38, v33;
	[tilespmem:v8+s19+$0x0] =	vst.idx.msk $0xffff, v34  }
0x78: {  	v60 =	vld.idx.msk [tilespmem:v22+s17+$0x0], $0xffff;
	v59 =	vadd.f32 v35, v24;
	[tilespmem:v11+s19+$0x0] =	vst.idx.msk $0xffff, v7  }
0x79: {  	v62 =	vld.idx.msk [tilespmem:v14+s17+$0x0], $0xffff;
	[tilespmem:v9+s19+$0x0] =	vst.idx.msk $0xffff, v57;
	v61 =	vadd.f32 v37, v30  }
0x7a: {  	[tilespmem:v28+s19+$0x0] =	vst.idx.msk $0xffff, v59;
	v5 =	vld.idx.msk [tilespmem:v5+s16+$0x0], $0xffff;
	v6 =	vadd.f32 v6, v12  }
0x7b: {  	s24 =	sadd.s32 $0x1, s24;
	v63 =	vadd.f32 v55, v58;
	[tilespmem:v4+s19+$0x0] =	vst.idx.msk $0xffff, v61  }
0x7c: {  	p0 =	sne.s32 s24, $0x8;
	v4 =	vadd.f32 v25, v56;
	[tilespmem:v10+s19+$0x0] =	vst.idx.msk $0xffff, v6  }
.Ltmp1:
0x7d: {  	v7 =	vadd.f32 v60, v32;
	[tilespmem:v17+s19+$0x0] =	vst.idx.msk $0xffff, v63;
	(pc) =	sbr.rel @p0 .LBB2_3-.Ltmp1, $4  }
0x7e: {  	[tilespmem:v15+s19+$0x0] =	vst.idx.msk $0xffff, v4;
	v4 =	vadd.f32 v54, v23  }
0x7f: {  	[tilespmem:v19+s19+$0x0] =	vst.idx.msk $0xffff, v7;
	v5 =	vadd.f32 v62, v5  }
0x80: {  	[tilespmem:v21+s19+$0x0] =	vst.idx.msk $0xffff, v4  }
0x81: {  	[tilespmem:v18+s19+$0x0] =	vst.idx.msk $0xffff, v5  }
0x82: {  	s23 =	sshll.u32 s21, $0xB;
	s21 =	sadd.s32 $0x1, s21  }
0x83: {  	p0 =	sne.s32 s21, $0x19  }
.Ltmp2:
0x84: {  	_ = 	snop;
	(pc) =	sbr.rel @p0 .LBB2_2-.Ltmp2, $3  }
0x85: {  	_ =	sdelay $0x1  }
0x86: {  	s22 =	sor.u32 $0x10A80, s22;
	s23 =	sadd.s32 s23, s10  }
0x87: {  	[hbm4b:s23+s2] =	stream.linear.scatter [tilespmem:s22], [sflag:$0x1], $0x4000, $0x38;
	[tilespmem:$0x18A80] =	vst v63  }
0x88: {  	s20 =	sadd.s32 $0x1, s20  }
0x89: {  	_ =	swait.ge [sflag:s18], $0x4000;
	p0 =	sne.s32 s20, s11  }
.Ltmp3:
0x8a: {  	[sflag:s18] =	ssyncset.done $0x0;
	(pc) =	sbr.rel @p0 .LBB2_1-.Ltmp3, $4  }
0x8b: {  	[sflag:s18] =	ssyncadd.s32 $0xFFFFC000  }
0x8c: {  	_ =	swait.ge [sflag:s18], $0x4000  }
0x8d: {  	[sflag:s18] =	ssyncset.done $0x0  }
0x8e: {  	[sflag:s18] =	ssyncadd.s32 $0xFFFFC000  }
0x8f: {  	_ =	sfence.sel $0x180000  }
0x90: {  	[bflag:$0x0] =	sbarrier.arrive $0xFFFF  }
0x91: {  	p0 =	sne.s32 s0, $0x0;
	_ =	strace $0x90000047  }
0x92: {  	s0 =	sadd.s32 @!p0 $0x100000, s1;
	[bflag:$0x2] =	sbarrier.arrive $0xFFFF  }
0x93: {  	[sflag:s0] =	ssyncadd.tile.s32 @!p0 $0x1;
	_ =	shalt  }
.Lfunc_end2:
_tile_overlayer_lowered:
.L_overlay_start_2:
0x94: {  	(tag) =	ssettag $0x2  }
0x95: {  	s0 =	rddreg [dreg:$0x0];
	s2 =	stileid.u32  }
0x96: {  	s1 =	rddreg [dreg:$0x1];
	p0 =	sne.s32 s2, $0x0  }
0x97: {  	s3 =	rddreg [dreg:$0x2];
	[bflag:$0x3] =	sbarrier.arrive $0xFFFF;
	s2 =	simm.s32 @!p0 $0x1C02  }
0x98: {  	[timem:s3], [sflag:s2] =	dma.local @!p0 [hbm:s0], s1  }
0x99: {  	s0 =	simm.s32 @!p0 $0x2  }
0x9a: {  	_ =	swait.ge @!p0 [sflag:s0], s1  }
0x9b: {  	s1 =	ssub.s32 @!p0 $0x0, s1;
	[sflag:s0] =	ssyncset.done @!p0 $0x0  }
0x9c: {  	[sflag:s0] =	ssyncadd.s32 @!p0 s1  }
0x9d: {  	[bflag:$0x3] =	sbarrier.arrive $0xFFFF  }
0x9e: {  	_ =	shalt  }

</sc_bundles>
